<compile_context>
chip_gen: v7x
topology: tpu7x:2x2x1
jax: 0.10.2.dev20260603
libtpu: 0.0.44.dev20260713+nightly
codegen_flags: <defaults>
</compile_context>

<pallas_src>
import functools

import jax
import jax.numpy as jnp
from jax import lax
from jax.experimental import pallas as pl
from jax.experimental.pallas import tpu as pltpu
from jax.experimental.pallas import tpu_sc as plsc

_K = 1024
_D = 64
_GB = 4
_MT = _GB * 576
_COMMIT = 0.25

_NW = 32
_CHUNK = 96


def _vq_body(z_ref, w_ref, idx_ref, idxd_ref, loss_ref):
    zt = z_ref[...].reshape(_MT, _D)
    wt = w_ref[...]
    mm2 = lax.dot_general(zt, wt + wt, (((1,), (1,)), ((), ())),
                          preferred_element_type=jnp.float32)
    z2 = jnp.sum(zt * zt, axis=1, keepdims=True)
    w2 = jnp.sum(wt * wt, axis=1)[None, :]
    dist = (z2 + w2) - mm2

    mind = jnp.min(dist, axis=1, keepdims=True)
    iota = lax.broadcasted_iota(jnp.int32, (1, _K), 1)
    key = lax.bitcast_convert_type(iota + 0x3F800000, jnp.float32)
    minkey = jnp.min(jnp.where(dist == mind, key, 2.0), axis=1)
    idx = lax.bitcast_convert_type(minkey, jnp.int32) - 0x3F800000
    idx_ref[...] = idx[:, None]
    idxd_ref[...] = idx.reshape(1, _MT // 128, 128)

    part = jnp.sum(mind)
    i = pl.program_id(0)
    ni = pl.num_programs(0)

    @pl.when(i == 0)
    def _():
        loss_ref[0, 0] = part

    @pl.when(i > 0)
    def _():
        loss_ref[0, 0] += part

    @pl.when(i == ni - 1)
    def _():
        n = _MT * ni * _D
        m = loss_ref[0, 0] / n
        loss_ref[0, 0] = m + _COMMIT * m


def _sc_gather(idx_hbm, w_hbm, out_hbm, w_sh, idx_v, rows_v, gsem):
    b_per_w = idx_hbm.shape[0] // _NW
    nc = b_per_w // _CHUNK
    sid = lax.axis_index("s")
    wid = sid * 2 + lax.axis_index("c")
    base = wid * b_per_w

    @pl.when(sid == 0)
    def _():
        pltpu.sync_copy(w_hbm, w_sh)
    plsc.subcore_barrier()

    pltpu.sync_copy(idx_hbm.at[pl.ds(base, b_per_w)], idx_v)
    copies = [
        pltpu.async_copy(w_sh.at[idx_v.at[pl.ds(c * _CHUNK, _CHUNK)]],
                         rows_v.at[pl.ds(c * _CHUNK, _CHUNK)], gsem)
        for c in range(nc)
    ]
    for cp in copies:
        cp.wait()
    pltpu.sync_copy(rows_v, out_hbm.at[pl.ds(base, b_per_w), pl.ds(0, _D)])


def kernel(z, W):
    b, s, _ = z.shape
    m = b * s
    grid = (b // _GB,)
    idx, idxd, loss = pl.pallas_call(
        _vq_body,
        grid=grid,
        in_specs=[
            pl.BlockSpec((_GB, s, _D), lambda i: (i, 0, 0)),
            pl.BlockSpec((_K, _D), lambda i: (0, 0)),
        ],
        out_specs=[
            pl.BlockSpec((_MT, 1), lambda i: (i, 0)),
            pl.BlockSpec((1, _MT // 128, 128), lambda i: (i, 0, 0)),
            pl.BlockSpec((1, 1), lambda i: (0, 0), memory_space=pltpu.SMEM),
        ],
        out_shape=[
            jax.ShapeDtypeStruct((m, 1), jnp.int32),
            jax.ShapeDtypeStruct((b // _GB, _MT // 128, 128), jnp.int32),
            jax.ShapeDtypeStruct((1, 1), jnp.float32),
        ],
    )(z, W)

    gather = functools.partial(
        pl.kernel,
        out_type=jax.ShapeDtypeStruct((m, 128), jnp.float32),
        mesh=plsc.VectorSubcoreMesh(core_axis_name="c", subcore_axis_name="s"),
        scratch_types=[
            pltpu.VMEM_SHARED((_K, _D), jnp.float32),
            pltpu.VMEM((m // _NW,), jnp.int32),
            pltpu.VMEM((m // _NW, _D), jnp.float32),
            pltpu.SemaphoreType.DMA,
        ],
        compiler_params=pltpu.CompilerParams(use_tc_tiling_on_sc=False),
    )(_sc_gather)
    zq = gather(idxd.reshape(m), W)[:, :_D]

    return zq.reshape(z.shape), loss[0, 0], idx

# --- scband reference (transcript-rebuilt; emitter-appended) ---
"""Pipeline reference for scband-vector-quantizer-10050223473099 (READ-ONLY COPY).

The authoritative reference and input builder live on the scoring server;
editing this copy changes nothing except your own understanding.
"""

import jax, jax.numpy as jnp
import numpy as np

NUM_EMBEDDINGS = 1024
EMBEDDING_DIM = 64
COMMITMENT_COST = 0.25


def setup_inputs(seed: int = 0) -> dict:
    key = jax.random.key(seed)
    k1, k2 = jax.random.split(key)
    z = jax.random.normal(k1, (32, 576, EMBEDDING_DIM), dtype=jnp.float32)
    W = jax.random.uniform(k2, (NUM_EMBEDDINGS, EMBEDDING_DIM),
                           minval=-1.0 / NUM_EMBEDDINGS,
                           maxval=1.0 / NUM_EMBEDDINGS,
                           dtype=jnp.float32)
    return {"z": z, "W": W}


def reference(z, W):
    D = W.shape[1]
    z_flat = z.reshape(-1, D)
    distances = (jnp.sum(z_flat ** 2, axis=1, keepdims=True)
                 + jnp.sum(W ** 2, axis=1)
                 - 2.0 * (z_flat @ W.T))
    encoding_indices = jnp.argmin(distances, axis=1)[:, None]
    z_q = jnp.take(W, encoding_indices[:, 0], axis=0).reshape(z.shape)
    loss = (jnp.mean((jax.lax.stop_gradient(z_q) - z) ** 2)
            + COMMITMENT_COST * jnp.mean((z_q - jax.lax.stop_gradient(z)) ** 2))
    z_q_st = z + jax.lax.stop_gradient(z_q - z)
    return (z_q_st, loss, encoding_indices)

if __name__ == "__main__":
    import jax
    _d = setup_inputs()
    print(jax.jit(kernel)(*tuple(_d.values())))

</pallas_src>

<mosaic_0001>
#map = affine_map<(d0, d1) -> (0)>
#map1 = affine_map<(d0, d1) -> (0, 0)>
module attributes {stable_mosaic.version = 14 : i64} {
  func.func @_sc_gather(%arg0: i32, %arg1: i32, %arg2: memref<18432xi32, #tpu.memory_space<hbm>>, %arg3: memref<1024x64xf32, #tpu.memory_space<hbm>>, %arg4: memref<18432x128xf32, #tpu.memory_space<hbm>>, %arg5: memref<1024x64xf32, #tpu.memory_space<vmem_shared>>, %arg6: memref<576xi32, #tpu.memory_space<vmem>>, %arg7: memref<576x64xf32, #tpu.memory_space<vmem>>, %arg8: memref<!tpu.dma_semaphore, #tpu.memory_space<semaphore_mem>>) attributes {dimension_semantics = [#tpu.dimension_semantics<core_parallel>, #tpu.dimension_semantics<subcore_parallel>], iteration_bounds = array<i64: 2, 16>, scalar_prefetch = 0 : i64, scratch_operands = 4 : i64, tpu.core_type = #tpu.core_type<sc_vector_subcore>, window_params = [{transform_indices = #map}, {transform_indices = #map1}, {transform_indices = #map1}]} {
    %mul3A = arith.constant 2 : i32
    %mul3A_0 = arith.muli %arg1, %mul3A : i32
    %add3A = arith.addi %mul3A_0, %arg0 : i32
    %mul3A_1 = arith.constant 576 : i32
    %mul3A_2 = arith.muli %add3A, %mul3A_1 : i32
    %eq3A = arith.constant 0 : i32
    %eq3A_3 = arith.cmpi eq, %arg1, %eq3A : i32
    %convert_element_type3A = arith.extui %eq3A_3 : i1 to i32
    %cond3A = arith.constant 0 : i32
    %cond3A_4 = arith.cmpi ne, %convert_element_type3A, %cond3A : i32
    scf.if %cond3A_4 {
      "tpu.region"() ({
        %run_scoped3A = tpu.sem_alloc : memref<!tpu.dma_semaphore, #tpu.memory_space<semaphore_mem>>
        tpu.enqueue_dma source(%arg3 : memref<1024x64xf32, #tpu.memory_space<hbm>>) target(%arg5 : memref<1024x64xf32, #tpu.memory_space<vmem_shared>>) target_semaphore(%run_scoped3A : memref<!tpu.dma_semaphore, #tpu.memory_space<semaphore_mem>>)
        tpu.wait_dma2 semaphore(%run_scoped3A : memref<!tpu.dma_semaphore, #tpu.memory_space<semaphore_mem>>) src(%arg3 : memref<1024x64xf32, #tpu.memory_space<hbm>>) dst(%arg5 : memref<1024x64xf32, #tpu.memory_space<vmem_shared>>)
        tpu.yield
      }) : () -> ()
    } else {
    }
    %barrier3A = arith.constant 0 : index
    tpu.barrier barrier_id(%barrier3A)
    "tpu.region"() ({
      %run_scoped3A = tpu.sem_alloc : memref<!tpu.dma_semaphore, #tpu.memory_space<semaphore_mem>>
      %dma_start3A_99 = tpu.memref_slice %arg2[%mul3A_2] : memref<18432xi32, #tpu.memory_space<hbm>> -> memref<576xi32, #tpu.memory_space<hbm>>
      %dma_start3A_100 = tpu.memref_slice %arg2[%mul3A_2] : memref<18432xi32, #tpu.memory_space<hbm>> -> memref<576xi32, #tpu.memory_space<hbm>>
      tpu.enqueue_dma source(%dma_start3A_100 : memref<576xi32, #tpu.memory_space<hbm>>) target(%arg6 : memref<576xi32, #tpu.memory_space<vmem>>) target_semaphore(%run_scoped3A : memref<!tpu.dma_semaphore, #tpu.memory_space<semaphore_mem>>)
      %dma_wait3A_101 = tpu.memref_slice %arg2[%mul3A_2] : memref<18432xi32, #tpu.memory_space<hbm>> -> memref<576xi32, #tpu.memory_space<hbm>>
      %dma_wait3A_102 = tpu.memref_slice %arg2[%mul3A_2] : memref<18432xi32, #tpu.memory_space<hbm>> -> memref<576xi32, #tpu.memory_space<hbm>>
      tpu.wait_dma2 semaphore(%run_scoped3A : memref<!tpu.dma_semaphore, #tpu.memory_space<semaphore_mem>>) src(%dma_wait3A_102 : memref<576xi32, #tpu.memory_space<hbm>>) dst(%arg6 : memref<576xi32, #tpu.memory_space<vmem>>)
      tpu.yield
    }) : () -> ()
    %dma_start3A = arith.constant 0 : i32
    %dma_start3A_5 = arith.constant 0 : i32
    %dma_start3A_6 = tpu.memref_slice %arg7[%dma_start3A, %dma_start3A_5] : memref<576x64xf32, #tpu.memory_space<vmem>> -> memref<96x64xf32, #tpu.memory_space<vmem>>
    %dma_start3A_7 = arith.constant 0 : i32
    %dma_start3A_8 = tpu.memref_slice %arg6[%dma_start3A_7] : memref<576xi32, #tpu.memory_space<vmem>> -> memref<96xi32, #tpu.memory_space<vmem>>
    %dma_start3A_9 = arith.constant 0 : i32
    %dma_start3A_10 = arith.constant 0 : i32
    %dma_start3A_11 = tpu.memref_slice %arg5[%dma_start3A_9, %dma_start3A_10] : memref<1024x64xf32, #tpu.memory_space<vmem_shared>> -> memref<1024x64xf32, #tpu.memory_space<vmem_shared>>
    tpu.enqueue_indirect_dma source(%dma_start3A_11 : memref<1024x64xf32, #tpu.memory_space<vmem_shared>>) target(%dma_start3A_6 : memref<96x64xf32, #tpu.memory_space<vmem>>) offsets(%dma_start3A_8 : memref<96xi32, #tpu.memory_space<vmem>>) semaphore(%arg8 : memref<!tpu.dma_semaphore, #tpu.memory_space<semaphore_mem>>)
    %dma_start3A_12 = arith.constant 96 : i32
    %dma_start3A_13 = arith.constant 0 : i32
    %dma_start3A_14 = tpu.memref_slice %arg7[%dma_start3A_12, %dma_start3A_13] : memref<576x64xf32, #tpu.memory_space<vmem>> -> memref<96x64xf32, #tpu.memory_space<vmem>>
    %dma_start3A_15 = arith.constant 96 : i32
    %dma_start3A_16 = tpu.memref_slice %arg6[%dma_start3A_15] : memref<576xi32, #tpu.memory_space<vmem>> -> memref<96xi32, #tpu.memory_space<vmem>>
    %dma_start3A_17 = arith.constant 0 : i32
    %dma_start3A_18 = arith.constant 0 : i32
    %dma_start3A_19 = tpu.memref_slice %arg5[%dma_start3A_17, %dma_start3A_18] : memref<1024x64xf32, #tpu.memory_space<vmem_shared>> -> memref<1024x64xf32, #tpu.memory_space<vmem_shared>>
    tpu.enqueue_indirect_dma source(%dma_start3A_19 : memref<1024x64xf32, #tpu.memory_space<vmem_shared>>) target(%dma_start3A_14 : memref<96x64xf32, #tpu.memory_space<vmem>>) offsets(%dma_start3A_16 : memref<96xi32, #tpu.memory_space<vmem>>) semaphore(%arg8 : memref<!tpu.dma_semaphore, #tpu.memory_space<semaphore_mem>>)
    %dma_start3A_20 = arith.constant 192 : i32
    %dma_start3A_21 = arith.constant 0 : i32
    %dma_start3A_22 = tpu.memref_slice %arg7[%dma_start3A_20, %dma_start3A_21] : memref<576x64xf32, #tpu.memory_space<vmem>> -> memref<96x64xf32, #tpu.memory_space<vmem>>
    %dma_start3A_23 = arith.constant 192 : i32
    %dma_start3A_24 = tpu.memref_slice %arg6[%dma_start3A_23] : memref<576xi32, #tpu.memory_space<vmem>> -> memref<96xi32, #tpu.memory_space<vmem>>
    %dma_start3A_25 = arith.constant 0 : i32
    %dma_start3A_26 = arith.constant 0 : i32
    %dma_start3A_27 = tpu.memref_slice %arg5[%dma_start3A_25, %dma_start3A_26] : memref<1024x64xf32, #tpu.memory_space<vmem_shared>> -> memref<1024x64xf32, #tpu.memory_space<vmem_shared>>
    tpu.enqueue_indirect_dma source(%dma_start3A_27 : memref<1024x64xf32, #tpu.memory_space<vmem_shared>>) target(%dma_start3A_22 : memref<96x64xf32, #tpu.memory_space<vmem>>) offsets(%dma_start3A_24 : memref<96xi32, #tpu.memory_space<vmem>>) semaphore(%arg8 : memref<!tpu.dma_semaphore, #tpu.memory_space<semaphore_mem>>)
    %dma_start3A_28 = arith.constant 288 : i32
    %dma_start3A_29 = arith.constant 0 : i32
    %dma_start3A_30 = tpu.memref_slice %arg7[%dma_start3A_28, %dma_start3A_29] : memref<576x64xf32, #tpu.memory_space<vmem>> -> memref<96x64xf32, #tpu.memory_space<vmem>>
    %dma_start3A_31 = arith.constant 288 : i32
    %dma_start3A_32 = tpu.memref_slice %arg6[%dma_start3A_31] : memref<576xi32, #tpu.memory_space<vmem>> -> memref<96xi32, #tpu.memory_space<vmem>>
    %dma_start3A_33 = arith.constant 0 : i32
    %dma_start3A_34 = arith.constant 0 : i32
    %dma_start3A_35 = tpu.memref_slice %arg5[%dma_start3A_33, %dma_start3A_34] : memref<1024x64xf32, #tpu.memory_space<vmem_shared>> -> memref<1024x64xf32, #tpu.memory_space<vmem_shared>>
    tpu.enqueue_indirect_dma source(%dma_start3A_35 : memref<1024x64xf32, #tpu.memory_space<vmem_shared>>) target(%dma_start3A_30 : memref<96x64xf32, #tpu.memory_space<vmem>>) offsets(%dma_start3A_32 : memref<96xi32, #tpu.memory_space<vmem>>) semaphore(%arg8 : memref<!tpu.dma_semaphore, #tpu.memory_space<semaphore_mem>>)
    %dma_start3A_36 = arith.constant 384 : i32
    %dma_start3A_37 = arith.constant 0 : i32
    %dma_start3A_38 = tpu.memref_slice %arg7[%dma_start3A_36, %dma_start3A_37] : memref<576x64xf32, #tpu.memory_space<vmem>> -> memref<96x64xf32, #tpu.memory_space<vmem>>
    %dma_start3A_39 = arith.constant 384 : i32
    %dma_start3A_40 = tpu.memref_slice %arg6[%dma_start3A_39] : memref<576xi32, #tpu.memory_space<vmem>> -> memref<96xi32, #tpu.memory_space<vmem>>
    %dma_start3A_41 = arith.constant 0 : i32
    %dma_start3A_42 = arith.constant 0 : i32
    %dma_start3A_43 = tpu.memref_slice %arg5[%dma_start3A_41, %dma_start3A_42] : memref<1024x64xf32, #tpu.memory_space<vmem_shared>> -> memref<1024x64xf32, #tpu.memory_space<vmem_shared>>
    tpu.enqueue_indirect_dma source(%dma_start3A_43 : memref<1024x64xf32, #tpu.memory_space<vmem_shared>>) target(%dma_start3A_38 : memref<96x64xf32, #tpu.memory_space<vmem>>) offsets(%dma_start3A_40 : memref<96xi32, #tpu.memory_space<vmem>>) semaphore(%arg8 : memref<!tpu.dma_semaphore, #tpu.memory_space<semaphore_mem>>)
    %dma_start3A_44 = arith.constant 480 : i32
    %dma_start3A_45 = arith.constant 0 : i32
    %dma_start3A_46 = tpu.memref_slice %arg7[%dma_start3A_44, %dma_start3A_45] : memref<576x64xf32, #tpu.memory_space<vmem>> -> memref<96x64xf32, #tpu.memory_space<vmem>>
    %dma_start3A_47 = arith.constant 480 : i32
    %dma_start3A_48 = tpu.memref_slice %arg6[%dma_start3A_47] : memref<576xi32, #tpu.memory_space<vmem>> -> memref<96xi32, #tpu.memory_space<vmem>>
    %dma_start3A_49 = arith.constant 0 : i32
    %dma_start3A_50 = arith.constant 0 : i32
    %dma_start3A_51 = tpu.memref_slice %arg5[%dma_start3A_49, %dma_start3A_50] : memref<1024x64xf32, #tpu.memory_space<vmem_shared>> -> memref<1024x64xf32, #tpu.memory_space<vmem_shared>>
    tpu.enqueue_indirect_dma source(%dma_start3A_51 : memref<1024x64xf32, #tpu.memory_space<vmem_shared>>) target(%dma_start3A_46 : memref<96x64xf32, #tpu.memory_space<vmem>>) offsets(%dma_start3A_48 : memref<96xi32, #tpu.memory_space<vmem>>) semaphore(%arg8 : memref<!tpu.dma_semaphore, #tpu.memory_space<semaphore_mem>>)
    %dma_wait3A = arith.constant 0 : i32
    %dma_wait3A_52 = arith.constant 0 : i32
    %dma_wait3A_53 = tpu.memref_slice %arg7[%dma_wait3A, %dma_wait3A_52] : memref<576x64xf32, #tpu.memory_space<vmem>> -> memref<96x64xf32, #tpu.memory_space<vmem>>
    %dma_wait3A_54 = arith.constant 0 : i32
    %dma_wait3A_55 = tpu.memref_slice %arg6[%dma_wait3A_54] : memref<576xi32, #tpu.memory_space<vmem>> -> memref<96xi32, #tpu.memory_space<vmem>>
    %dma_wait3A_56 = arith.constant 0 : i32
    %dma_wait3A_57 = arith.constant 0 : i32
    %dma_wait3A_58 = tpu.memref_slice %arg5[%dma_wait3A_56, %dma_wait3A_57] : memref<1024x64xf32, #tpu.memory_space<vmem_shared>> -> memref<1024x64xf32, #tpu.memory_space<vmem_shared>>
    tpu.wait_indirect_dma semaphore(%arg8 : memref<!tpu.dma_semaphore, #tpu.memory_space<semaphore_mem>>) src(%dma_wait3A_58 : memref<1024x64xf32, #tpu.memory_space<vmem_shared>>) dst(%dma_wait3A_53 : memref<96x64xf32, #tpu.memory_space<vmem>>)
    %dma_wait3A_59 = arith.constant 96 : i32
    %dma_wait3A_60 = arith.constant 0 : i32
    %dma_wait3A_61 = tpu.memref_slice %arg7[%dma_wait3A_59, %dma_wait3A_60] : memref<576x64xf32, #tpu.memory_space<vmem>> -> memref<96x64xf32, #tpu.memory_space<vmem>>
    %dma_wait3A_62 = arith.constant 96 : i32
    %dma_wait3A_63 = tpu.memref_slice %arg6[%dma_wait3A_62] : memref<576xi32, #tpu.memory_space<vmem>> -> memref<96xi32, #tpu.memory_space<vmem>>
    %dma_wait3A_64 = arith.constant 0 : i32
    %dma_wait3A_65 = arith.constant 0 : i32
    %dma_wait3A_66 = tpu.memref_slice %arg5[%dma_wait3A_64, %dma_wait3A_65] : memref<1024x64xf32, #tpu.memory_space<vmem_shared>> -> memref<1024x64xf32, #tpu.memory_space<vmem_shared>>
    tpu.wait_indirect_dma semaphore(%arg8 : memref<!tpu.dma_semaphore, #tpu.memory_space<semaphore_mem>>) src(%dma_wait3A_66 : memref<1024x64xf32, #tpu.memory_space<vmem_shared>>) dst(%dma_wait3A_61 : memref<96x64xf32, #tpu.memory_space<vmem>>)
    %dma_wait3A_67 = arith.constant 192 : i32
    %dma_wait3A_68 = arith.constant 0 : i32
    %dma_wait3A_69 = tpu.memref_slice %arg7[%dma_wait3A_67, %dma_wait3A_68] : memref<576x64xf32, #tpu.memory_space<vmem>> -> memref<96x64xf32, #tpu.memory_space<vmem>>
    %dma_wait3A_70 = arith.constant 192 : i32
    %dma_wait3A_71 = tpu.memref_slice %arg6[%dma_wait3A_70] : memref<576xi32, #tpu.memory_space<vmem>> -> memref<96xi32, #tpu.memory_space<vmem>>
    %dma_wait3A_72 = arith.constant 0 : i32
    %dma_wait3A_73 = arith.constant 0 : i32
    %dma_wait3A_74 = tpu.memref_slice %arg5[%dma_wait3A_72, %dma_wait3A_73] : memref<1024x64xf32, #tpu.memory_space<vmem_shared>> -> memref<1024x64xf32, #tpu.memory_space<vmem_shared>>
    tpu.wait_indirect_dma semaphore(%arg8 : memref<!tpu.dma_semaphore, #tpu.memory_space<semaphore_mem>>) src(%dma_wait3A_74 : memref<1024x64xf32, #tpu.memory_space<vmem_shared>>) dst(%dma_wait3A_69 : memref<96x64xf32, #tpu.memory_space<vmem>>)
    %dma_wait3A_75 = arith.constant 288 : i32
    %dma_wait3A_76 = arith.constant 0 : i32
    %dma_wait3A_77 = tpu.memref_slice %arg7[%dma_wait3A_75, %dma_wait3A_76] : memref<576x64xf32, #tpu.memory_space<vmem>> -> memref<96x64xf32, #tpu.memory_space<vmem>>
    %dma_wait3A_78 = arith.constant 288 : i32
    %dma_wait3A_79 = tpu.memref_slice %arg6[%dma_wait3A_78] : memref<576xi32, #tpu.memory_space<vmem>> -> memref<96xi32, #tpu.memory_space<vmem>>
    %dma_wait3A_80 = arith.constant 0 : i32
    %dma_wait3A_81 = arith.constant 0 : i32
    %dma_wait3A_82 = tpu.memref_slice %arg5[%dma_wait3A_80, %dma_wait3A_81] : memref<1024x64xf32, #tpu.memory_space<vmem_shared>> -> memref<1024x64xf32, #tpu.memory_space<vmem_shared>>
    tpu.wait_indirect_dma semaphore(%arg8 : memref<!tpu.dma_semaphore, #tpu.memory_space<semaphore_mem>>) src(%dma_wait3A_82 : memref<1024x64xf32, #tpu.memory_space<vmem_shared>>) dst(%dma_wait3A_77 : memref<96x64xf32, #tpu.memory_space<vmem>>)
    %dma_wait3A_83 = arith.constant 384 : i32
    %dma_wait3A_84 = arith.constant 0 : i32
    %dma_wait3A_85 = tpu.memref_slice %arg7[%dma_wait3A_83, %dma_wait3A_84] : memref<576x64xf32, #tpu.memory_space<vmem>> -> memref<96x64xf32, #tpu.memory_space<vmem>>
    %dma_wait3A_86 = arith.constant 384 : i32
    %dma_wait3A_87 = tpu.memref_slice %arg6[%dma_wait3A_86] : memref<576xi32, #tpu.memory_space<vmem>> -> memref<96xi32, #tpu.memory_space<vmem>>
    %dma_wait3A_88 = arith.constant 0 : i32
    %dma_wait3A_89 = arith.constant 0 : i32
    %dma_wait3A_90 = tpu.memref_slice %arg5[%dma_wait3A_88, %dma_wait3A_89] : memref<1024x64xf32, #tpu.memory_space<vmem_shared>> -> memref<1024x64xf32, #tpu.memory_space<vmem_shared>>
    tpu.wait_indirect_dma semaphore(%arg8 : memref<!tpu.dma_semaphore, #tpu.memory_space<semaphore_mem>>) src(%dma_wait3A_90 : memref<1024x64xf32, #tpu.memory_space<vmem_shared>>) dst(%dma_wait3A_85 : memref<96x64xf32, #tpu.memory_space<vmem>>)
    %dma_wait3A_91 = arith.constant 480 : i32
    %dma_wait3A_92 = arith.constant 0 : i32
    %dma_wait3A_93 = tpu.memref_slice %arg7[%dma_wait3A_91, %dma_wait3A_92] : memref<576x64xf32, #tpu.memory_space<vmem>> -> memref<96x64xf32, #tpu.memory_space<vmem>>
    %dma_wait3A_94 = arith.constant 480 : i32
    %dma_wait3A_95 = tpu.memref_slice %arg6[%dma_wait3A_94] : memref<576xi32, #tpu.memory_space<vmem>> -> memref<96xi32, #tpu.memory_space<vmem>>
    %dma_wait3A_96 = arith.constant 0 : i32
    %dma_wait3A_97 = arith.constant 0 : i32
    %dma_wait3A_98 = tpu.memref_slice %arg5[%dma_wait3A_96, %dma_wait3A_97] : memref<1024x64xf32, #tpu.memory_space<vmem_shared>> -> memref<1024x64xf32, #tpu.memory_space<vmem_shared>>
    tpu.wait_indirect_dma semaphore(%arg8 : memref<!tpu.dma_semaphore, #tpu.memory_space<semaphore_mem>>) src(%dma_wait3A_98 : memref<1024x64xf32, #tpu.memory_space<vmem_shared>>) dst(%dma_wait3A_93 : memref<96x64xf32, #tpu.memory_space<vmem>>)
    "tpu.region"() ({
      %run_scoped3A = tpu.sem_alloc : memref<!tpu.dma_semaphore, #tpu.memory_space<semaphore_mem>>
      %dma_start3A_99 = arith.constant 0 : i32
      %dma_start3A_100 = tpu.memref_slice %arg4[%mul3A_2, %dma_start3A_99] : memref<18432x128xf32, #tpu.memory_space<hbm>> -> memref<576x64xf32, #tpu.memory_space<hbm>>
      %dma_start3A_101 = arith.constant 0 : i32
      %dma_start3A_102 = tpu.memref_slice %arg4[%mul3A_2, %dma_start3A_101] : memref<18432x128xf32, #tpu.memory_space<hbm>> -> memref<576x64xf32, #tpu.memory_space<hbm>>
      tpu.enqueue_dma source(%arg7 : memref<576x64xf32, #tpu.memory_space<vmem>>) target(%dma_start3A_102 : memref<576x64xf32, #tpu.memory_space<hbm>>) target_semaphore(%run_scoped3A : memref<!tpu.dma_semaphore, #tpu.memory_space<semaphore_mem>>)
      %dma_wait3A_103 = arith.constant 0 : i32
      %dma_wait3A_104 = tpu.memref_slice %arg4[%mul3A_2, %dma_wait3A_103] : memref<18432x128xf32, #tpu.memory_space<hbm>> -> memref<576x64xf32, #tpu.memory_space<hbm>>
      %dma_wait3A_105 = arith.constant 0 : i32
      %dma_wait3A_106 = tpu.memref_slice %arg4[%mul3A_2, %dma_wait3A_105] : memref<18432x128xf32, #tpu.memory_space<hbm>> -> memref<576x64xf32, #tpu.memory_space<hbm>>
      tpu.wait_dma2 semaphore(%run_scoped3A : memref<!tpu.dma_semaphore, #tpu.memory_space<semaphore_mem>>) src(%arg7 : memref<576x64xf32, #tpu.memory_space<vmem>>) dst(%dma_wait3A_106 : memref<576x64xf32, #tpu.memory_space<hbm>>)
      tpu.yield
    }) : () -> ()
    return
  }
}

module attributes {stable_mosaic.version = 14 : i64} {
  func.func @_vq_body(%arg0: i32, %arg1: memref<4x576x64xf32, #tpu.memory_space<vmem>>, %arg2: memref<1024x64xf32, #tpu.memory_space<vmem>>, %arg3: memref<2304x1xi32, #tpu.memory_space<vmem>>, %arg4: memref<1x18x128xi32, #tpu.memory_space<vmem>>, %arg5: memref<1x1xf32, #tpu.memory_space<smem>>) attributes {dimension_semantics = [#tpu.dimension_semantics<arbitrary>], iteration_bounds = array<i64: 8>, scalar_prefetch = 0 : i64, scratch_operands = 0 : i64, tpu.core_type = #tpu.core_type<tc>, window_params = [{transform_indices = @transform_0, window_bounds = array<i64: 4, 576, 64>}, {pipeline_mode = #tpu.pipeline_mode<synchronous>, transform_indices = @transform_1, window_bounds = array<i64: 1024, 64>}, {transform_indices = @transform_2, window_bounds = array<i64: 2304, 1>}, {transform_indices = @transform_3, window_bounds = array<i64: 1, 18, 128>}, {transform_indices = @transform_4, window_bounds = array<i64: 1, 1>}]} {
    %get3A = arith.constant 0 : index
    %get3A_0 = arith.constant 0 : index
    %get3A_1 = arith.constant 0 : index
    %get3A_2 = vector.load %arg1[%get3A, %get3A_0, %get3A_1] : memref<4x576x64xf32, #tpu.memory_space<vmem>>, vector<4x576x64xf32>
    %reshape3A = vector.shape_cast %get3A_2 : vector<4x576x64xf32> to vector<2304x64xf32>
    %get3A_3 = arith.constant 0 : index
    %get3A_4 = arith.constant 0 : index
    %get3A_5 = vector.load %arg2[%get3A_3, %get3A_4] : memref<1024x64xf32, #tpu.memory_space<vmem>>, vector<1024x64xf32>
    %add3A = arith.addf %get3A_5, %get3A_5 : vector<1024x64xf32>
    %dot_general3A = arith.constant dense<0.000000e+00> : vector<2304x1024xf32>
    %dot_general3A_6 = tpu.matmul %reshape3A, %add3A, %dot_general3A {dimension_numbers = #tpu.dot_dimension_numbers<[1], [1], [0], [0], [0, 0, 1, 0], [], []>, transpose_lhs_hint = false} : vector<2304x64xf32>, vector<1024x64xf32>, vector<2304x1024xf32> -> vector<2304x1024xf32>
    %mul3A = arith.mulf %reshape3A, %reshape3A : vector<2304x64xf32>
    %reduce_sum3A = arith.constant dense<0.000000e+00> : vector<2304xf32>
    %reduce_sum3A_7 = vector.multi_reduction <add>, %mul3A, %reduce_sum3A [1] : vector<2304x64xf32> to vector<2304xf32>
    %broadcast_in_dim3A = vector.shape_cast %reduce_sum3A_7 : vector<2304xf32> to vector<2304x1xf32>
    %mul3A_8 = arith.mulf %get3A_5, %get3A_5 : vector<1024x64xf32>
    %reduce_sum3A_9 = arith.constant dense<0.000000e+00> : vector<1024xf32>
    %reduce_sum3A_10 = vector.multi_reduction <add>, %mul3A_8, %reduce_sum3A_9 [1] : vector<1024x64xf32> to vector<1024xf32>
    %broadcast_in_dim3A_11 = vector.shape_cast %reduce_sum3A_10 : vector<1024xf32> to vector<1x1024xf32>
    %add3A_12 = vector.broadcast %broadcast_in_dim3A : vector<2304x1xf32> to vector<2304x1024xf32>
    %add3A_13 = vector.broadcast %broadcast_in_dim3A_11 : vector<1x1024xf32> to vector<2304x1024xf32>
    %add3A_14 = arith.addf %add3A_12, %add3A_13 : vector<2304x1024xf32>
    %sub3A = arith.subf %add3A_14, %dot_general3A_6 : vector<2304x1024xf32>
    %reduce_min3A = arith.constant dense<0x7F800000> : vector<2304xf32>
    %reduce_min3A_15 = vector.multi_reduction <minimumf>, %sub3A, %reduce_min3A [1] : vector<2304x1024xf32> to vector<2304xf32>
    %broadcast_in_dim3A_16 = vector.shape_cast %reduce_min3A_15 : vector<2304xf32> to vector<2304x1xf32>
    %iota3A = tpu.iota {dimensions = array<i32: 1>} : vector<1x1024xi32>
    %add3A_17 = arith.constant 1065353216 : i32
    %add3A_18 = vector.broadcast %add3A_17 : i32 to vector<1x1024xi32>
    %add3A_19 = arith.addi %iota3A, %add3A_18 : vector<1x1024xi32>
    %bitcast_convert_type3A = tpu.bitcast %add3A_19 : vector<1x1024xi32> -> vector<1x1024xf32>
    %eq3A = vector.broadcast %broadcast_in_dim3A_16 : vector<2304x1xf32> to vector<2304x1024xf32>
    %eq3A_20 = arith.cmpf oeq, %sub3A, %eq3A : vector<2304x1024xf32>
    %jit3A = arith.constant 2.000000e+00 : f32
    %broadcast_in_dim3A_21 = vector.shape_cast %bitcast_convert_type3A : vector<1x1024xf32> to vector<1x1024xf32>
    %broadcast_in_dim3A_22 = vector.broadcast %broadcast_in_dim3A_21 : vector<1x1024xf32> to vector<2304x1024xf32>
    %broadcast_in_dim3A_23 = vector.broadcast %jit3A : f32 to vector<2304x1024xf32>
    %select_n3A = arith.select %eq3A_20, %broadcast_in_dim3A_22, %broadcast_in_dim3A_23 : vector<2304x1024xi1>, vector<2304x1024xf32>
    %reduce_min3A_24 = arith.constant dense<0x7F800000> : vector<2304xf32>
    %reduce_min3A_25 = vector.multi_reduction <minimumf>, %select_n3A, %reduce_min3A_24 [1] : vector<2304x1024xf32> to vector<2304xf32>
    %bitcast_convert_type3A_26 = tpu.bitcast %reduce_min3A_25 : vector<2304xf32> -> vector<2304xi32>
    %sub3A_27 = arith.constant 1065353216 : i32
    %sub3A_28 = vector.broadcast %sub3A_27 : i32 to vector<2304xi32>
    %sub3A_29 = arith.subi %bitcast_convert_type3A_26, %sub3A_28 : vector<2304xi32>
    %broadcast_in_dim3A_30 = vector.shape_cast %sub3A_29 : vector<2304xi32> to vector<2304x1xi32>
    %swap3A = arith.constant 0 : index
    %swap3A_31 = arith.constant 0 : index
    %swap3A_32 = vector.load %arg3[%swap3A, %swap3A_31] : memref<2304x1xi32, #tpu.memory_space<vmem>>, vector<2304x1xi32>
    tpu.vector_store %arg3[%swap3A, %swap3A_31], %broadcast_in_dim3A_30 {strides = array<i32>} : memref<2304x1xi32, #tpu.memory_space<vmem>>, vector<2304x1xi32>,
    %reshape3A_33 = vector.shape_cast %sub3A_29 : vector<2304xi32> to vector<1x18x128xi32>
    %swap3A_34 = arith.constant 0 : index
    %swap3A_35 = arith.constant 0 : index
    %swap3A_36 = arith.constant 0 : index
    %swap3A_37 = vector.load %arg4[%swap3A_34, %swap3A_35, %swap3A_36] : memref<1x18x128xi32, #tpu.memory_space<vmem>>, vector<1x18x128xi32>
    tpu.vector_store %arg4[%swap3A_34, %swap3A_35, %swap3A_36], %reshape3A_33 {strides = array<i32>} : memref<1x18x128xi32, #tpu.memory_space<vmem>>, vector<1x18x128xi32>,
    %reduce_sum3A_38 = vector.shape_cast %broadcast_in_dim3A_16 : vector<2304x1xf32> to vector<1x2304x1xf32>
    %reduce_sum3A_39 = arith.constant dense<0.000000e+00> : vector<1xf32>
    %reduce_sum3A_40 = vector.multi_reduction <add>, %reduce_sum3A_38, %reduce_sum3A_39 [1, 2] : vector<1x2304x1xf32> to vector<1xf32>
    %reduce_sum3A_41 = vector.shape_cast %reduce_sum3A_40 : vector<1xf32> to vector<1x1x1xf32>
    %reduce_sum3A_42 = vector.extract %reduce_sum3A_41[0, 0, 0] : f32 from vector<1x1x1xf32>
    %eq3A_43 = arith.constant 0 : i32
    %eq3A_44 = arith.cmpi eq, %arg0, %eq3A_43 : i32
    %convert_element_type3A = arith.extui %eq3A_44 : i1 to i32
    %cond3A = arith.constant 0 : i32
    %cond3A_45 = arith.cmpi ne, %convert_element_type3A, %cond3A : i32
    scf.if %cond3A_45 {
      %swap3A_55 = arith.constant 0 : index
      %swap3A_56 = arith.constant 0 : index
      %swap3A_57 = memref.load %arg5[%swap3A_55, %swap3A_56] : memref<1x1xf32, #tpu.memory_space<smem>>
      memref.store %reduce_sum3A_42, %arg5[%swap3A_55, %swap3A_56] : memref<1x1xf32, #tpu.memory_space<smem>>
    } else {
    }
    %gt3A = arith.constant 0 : i32
    %gt3A_46 = arith.cmpi sgt, %arg0, %gt3A : i32
    %convert_element_type3A_47 = arith.extui %gt3A_46 : i1 to i32
    %cond3A_48 = arith.constant 0 : i32
    %cond3A_49 = arith.cmpi ne, %convert_element_type3A_47, %cond3A_48 : i32
    scf.if %cond3A_49 {
      %get3A_55 = arith.constant 0 : index
      %get3A_56 = arith.constant 0 : index
      %get3A_57 = memref.load %arg5[%get3A_55, %get3A_56] : memref<1x1xf32, #tpu.memory_space<smem>>
      %add3A_58 = arith.addf %get3A_57, %reduce_sum3A_42 : f32
      %swap3A_59 = arith.constant 0 : index
      %swap3A_60 = arith.constant 0 : index
      %swap3A_61 = memref.load %arg5[%swap3A_59, %swap3A_60] : memref<1x1xf32, #tpu.memory_space<smem>>
      memref.store %add3A_58, %arg5[%swap3A_59, %swap3A_60] : memref<1x1xf32, #tpu.memory_space<smem>>
    } else {
    }
    %eq3A_50 = arith.constant 7 : i32
    %eq3A_51 = arith.cmpi eq, %arg0, %eq3A_50 : i32
    %convert_element_type3A_52 = arith.extui %eq3A_51 : i1 to i32
    %cond3A_53 = arith.constant 0 : i32
    %cond3A_54 = arith.cmpi ne, %convert_element_type3A_52, %cond3A_53 : i32
    scf.if %cond3A_54 {
      %get3A_55 = arith.constant 0 : index
      %get3A_56 = arith.constant 0 : index
      %get3A_57 = memref.load %arg5[%get3A_55, %get3A_56] : memref<1x1xf32, #tpu.memory_space<smem>>
      %div3A = arith.constant 0x49900000 : f32
      %div3A_58 = arith.divf %get3A_57, %div3A : f32
      %mul3A_59 = arith.constant 2.500000e-01 : f32
      %mul3A_60 = arith.mulf %mul3A_59, %div3A_58 : f32
      %add3A_61 = arith.addf %div3A_58, %mul3A_60 : f32
      %swap3A_62 = arith.constant 0 : index
      %swap3A_63 = arith.constant 0 : index
      %swap3A_64 = memref.load %arg5[%swap3A_62, %swap3A_63] : memref<1x1xf32, #tpu.memory_space<smem>>
      memref.store %add3A_61, %arg5[%swap3A_62, %swap3A_63] : memref<1x1xf32, #tpu.memory_space<smem>>
    } else {
    }
    return
  }
  func.func @transform_0(%arg0: i32) -> (i32, i32, i32) {
    %c0_i32 = arith.constant 0 : i32
    %c0_i32_0 = arith.constant 0 : i32
    %c0_i32_1 = arith.constant 0 : i32
    return %arg0, %c0_i32, %c0_i32_0 : i32, i32, i32
  }
  func.func @transform_1(%arg0: i32) -> (i32, i32) {
    %c0_i32 = arith.constant 0 : i32
    %c0_i32_0 = arith.constant 0 : i32
    %c0_i32_1 = arith.constant 0 : i32
    return %c0_i32, %c0_i32_0 : i32, i32
  }
  func.func @transform_2(%arg0: i32) -> (i32, i32) {
    %c0_i32 = arith.constant 0 : i32
    %c0_i32_0 = arith.constant 0 : i32
    return %arg0, %c0_i32 : i32, i32
  }
  func.func @transform_3(%arg0: i32) -> (i32, i32, i32) {
    %c0_i32 = arith.constant 0 : i32
    %c0_i32_0 = arith.constant 0 : i32
    %c0_i32_1 = arith.constant 0 : i32
    return %arg0, %c0_i32, %c0_i32_0 : i32, i32, i32
  }
  func.func @transform_4(%arg0: i32) -> (i32, i32) {
    %c0_i32 = arith.constant 0 : i32
    %c0_i32_0 = arith.constant 0 : i32
    %c0_i32_1 = arith.constant 0 : i32
    return %c0_i32, %c0_i32_0 : i32, i32
  }
}

</mosaic_0001>

<sc_bundles>
// kernel: kernel.4.cloned.1.call-start
scs
__scs_entry_jumppad:
0x0: {  	(pc) =	sbr.rel $0x88, $3  }
0x1: {  	(tag) =	ssettag $0x0;
	lr =	simm.s32 $0x1  }
0x2: {  	[smem:$0x3F9F] =	sst lr;
	_ =	strace $0xD0000000  }
0x3: {  	_ = 	snop  }
0x4: {  	_ = 	snop  }
0x5: {  	_ = 	snop  }
0x6: {  	_ = 	snop  }
0x7: {  	_ = 	snop  }
__scs_overlays_trampoline_lowered:
0x8: {  	[smem:$0x3FAE] =	sst s0  }
0x9: {  	[smem:$0x3FAF] =	sst s1  }
0xa: {  	[smem:$0x3FB0] =	sst s2  }
0xb: {  	[smem:$0x3FB1] =	sst s3  }
0xc: {  	[smem:$0x3FB2] =	sst s4  }
0xd: {  	[smem:$0x3FB3] =	sst s5  }
0xe: {  	[smem:$0x3FB4] =	sst s6  }
0xf: {  	[smem:$0x3FB5] =	sst s7  }
0x10: {  	[smem:$0x3FB6] =	sst s8  }
0x11: {  	[smem:$0x3FB7] =	sst s9;
	s0 =	simm.s32 @!p0 $0x0  }
0x12: {  	s1 =	sld [smem:$0x3F9D];
	s0 =	simm.s32 @p0 $0x1  }
0x13: {  	[smem:$0x3FB8] =	sst s0;
	s0 =	simm.s32 @!p1 $0x0  }
0x14: {  	s2 =	sld [smem:$0x3F9C];
	s0 =	simm.s32 @p1 $0x1  }
0x15: {  	[smem:$0x3FB9] =	sst s0;
	s0 =	simm.s32 @!p2 $0x0  }
0x16: {  	s3 =	sld [smem:$0x3FDB];
	s0 =	simm.s32 @p2 $0x1  }
0x17: {  	s4 =	simm.s32 $0x1BF5;
	[smem:$0x3FBB] =	sst s0  }
0x18: {  	s0 =	sld [smem:$0x3F9E];
	_ =	swait.ge [sflag:s4], $0x0  }
0x19: {  	s7 =	sld [smem:$0x3F9F]  }
0x1a: {  	s8 =	sadd.s32 $0xFFFFE003, lr  }
0x1b: {  	s9 =	sadd.s32 $0xFFFFFEF7, lr;
	s5 =	simm.s32 $0xFFFFFFFF;
	p2 =	slt.u32 s8, $0xFFFFF086  }
0x1c: {  	p1 =	slt.u32 s9, $0xF7A;
	s5 =	simm.s32 @!p2 $0x0  }
0x1d: {  	s5 =	simm.s32 @p1 $0x1;
	p0 =	seq.s32 s7, s2  }
0x1e: {  	s7 =	smul.u32 @!p0 $0xF7A, s2;
	p2 =	seq.s32 @!p0 s5, $0x0  }
0x1f: {  	s9 =	smul.u32 $0xF7A, s1;
	s8 =	simm.s32 @!p0 $0x1BF5;
	p2 =	por !p2, p0  }
0x20: {  	[sflag:s8] =	ssyncset.s32 @!p0 $0xFFFFF086;
	s6 =	sadd.s32 @!p0 s3, s7;
	s7 =	simm.s32 @!p0 $0x108  }
0x21: {  	s3 =	sadd.s32 s3, s9;
	s6 =	sadd.s32 @!p0 $0x88, s6;
	s7 =	simm.s32 @p2 $0x1082  }
0x22: {  	[simem:s7], [sflag:s8] =	dma.local @!p0 [hbm:s6], $0xF7A  }
0x23: {  	s9 =	sor.u32 $0xD0000000, s2;
	s6 =	simm.s32 $0x108;
	_ =	swait.ge @!p0 [sflag:s8], $0x0  }
0x24: {  	s3 =	sadd.s32 $0x88, s3;
	s6 =	simm.s32 @!p1 $0x1082;
	[sflag:s4] =	ssyncset.s32 $0xFFFFF086  }
0x25: {  	[simem:s6], [sflag:s4] =	dma.local [hbm:s3], $0xF7A  }
0x26: {  	[smem:$0x3F9F] =	sst s1;
	(tag) =	ssettag s2;
	_ =	strace s9  }
0x27: {  	s1 =	sld [smem:$0x3FAF]  }
0x28: {  	s2 =	sld [smem:$0x3FB0]  }
0x29: {  	s4 =	sld [smem:$0x3FB2]  }
0x2a: {  	p0 =	seq.s32 s5, $0x0;
	s5 =	sld [smem:$0x3FB3]  }
0x2b: {  	s6 =	sld [smem:$0x3FB4]  }
0x2c: {  	s7 =	sld [smem:$0x3FB5]  }
0x2d: {  	s3 =	simm.s32 $0x108;
	s8 =	sld [smem:$0x3FB6]  }
0x2e: {  	s3 =	simm.s32 @!p0 $0x1082;
	s9 =	sld [smem:$0x3FB7]  }
0x2f: {  	lr =	sadd.s32 s0, s3;
	s0 =	sld [smem:$0x3FAE]  }
0x30: {  	s3 =	sld [smem:$0x3FB1]  }
0x31: {  	[smem:$0x3FBA] =	sst s10  }
0x32: {  	s10 =	sld [smem:$0x3FB8];
	_ =	sdelay $0x3  }
0x33: {  	p0 =	seq.s32 s10, $0x1;
	s10 =	sld [smem:$0x3FBA];
	_ =	sdelay $0x3  }
0x34: {  	[smem:$0x3FBA] =	sst s10  }
0x35: {  	s10 =	sld [smem:$0x3FB9];
	_ =	sdelay $0x3  }
0x36: {  	p1 =	seq.s32 s10, $0x1;
	s10 =	sld [smem:$0x3FBA];
	_ =	sdelay $0x3  }
0x37: {  	[smem:$0x3FBA] =	sst s10  }
0x38: {  	s10 =	sld [smem:$0x3FBB]  }
0x39: {  	_ = 	snop;
	(pc) =	sbr.ind lr, $3  }
0x3a: {  	_ = 	snop  }
0x3b: {  	_ = 	snop  }
0x3c: {  	p2 =	seq.s32 s10, $0x1;
	s10 =	sld [smem:$0x3FBA]  }
0x3d: {  	_ =	shalt  }
0x3e: {  	_ =	shalt  }
0x3f: {  	_ =	shalt  }
0x40: {  	_ =	shalt  }
0x41: {  	_ =	shalt  }
0x42: {  	_ =	shalt  }
0x43: {  	_ =	shalt  }
0x44: {  	_ =	shalt  }
0x45: {  	_ =	shalt  }
0x46: {  	_ =	shalt  }
0x47: {  	_ =	shalt  }
0x48: {  	_ =	shalt  }
0x49: {  	_ =	shalt  }
0x4a: {  	_ =	shalt  }
0x4b: {  	_ =	shalt  }
0x4c: {  	_ =	shalt  }
0x4d: {  	_ =	shalt  }
0x4e: {  	_ =	shalt  }
0x4f: {  	_ =	shalt  }
0x50: {  	_ =	shalt  }
0x51: {  	_ =	shalt  }
0x52: {  	_ =	shalt  }
0x53: {  	_ =	shalt  }
0x54: {  	_ =	shalt  }
0x55: {  	_ =	shalt  }
0x56: {  	_ =	shalt  }
0x57: {  	_ =	shalt  }
0x58: {  	_ =	shalt  }
0x59: {  	_ =	shalt  }
0x5a: {  	_ =	shalt  }
0x5b: {  	_ =	shalt  }
0x5c: {  	_ =	shalt  }
0x5d: {  	_ =	shalt  }
0x5e: {  	_ =	shalt  }
0x5f: {  	_ =	shalt  }
0x60: {  	_ =	shalt  }
0x61: {  	_ =	shalt  }
0x62: {  	_ =	shalt  }
0x63: {  	_ =	shalt  }
0x64: {  	_ =	shalt  }
0x65: {  	_ =	shalt  }
0x66: {  	_ =	shalt  }
0x67: {  	_ =	shalt  }
0x68: {  	_ =	shalt  }
0x69: {  	_ =	shalt  }
0x6a: {  	_ =	shalt  }
0x6b: {  	_ =	shalt  }
0x6c: {  	_ =	shalt  }
0x6d: {  	_ =	shalt  }
0x6e: {  	_ =	shalt  }
0x6f: {  	_ =	shalt  }
0x70: {  	_ =	shalt  }
0x71: {  	_ =	shalt  }
0x72: {  	_ =	shalt  }
0x73: {  	_ =	shalt  }
0x74: {  	_ =	shalt  }
0x75: {  	_ =	shalt  }
0x76: {  	_ =	shalt  }
0x77: {  	_ =	shalt  }
0x78: {  	_ =	shalt  }
0x79: {  	_ =	shalt  }
0x7a: {  	_ =	shalt  }
0x7b: {  	_ =	shalt  }
0x7c: {  	_ =	shalt  }
0x7d: {  	_ =	shalt  }
0x7e: {  	_ =	shalt  }
0x7f: {  	_ =	shalt  }
0x80: {  	_ =	shalt  }
0x81: {  	_ =	shalt  }
0x82: {  	_ =	shalt  }
0x83: {  	_ =	shalt  }
0x84: {  	_ =	shalt  }
0x85: {  	_ =	shalt  }
0x86: {  	_ =	shalt  }
0x87: {  	_ =	shalt  }
.Lfunc_end0:
.L_simem_size_0:
called_computation_lowered:
.L_overlay_start_0:
0x88: {  	s2 =	sld [smem:$0x3FD9]  }
0x89: {  	s3 =	sld [smem:$0x3FFE];
	_ =	sdelay $0x1  }
0x8a: {  	s1 =	srdreg.scid  }
0x8b: {  	s0 =	sand.u32 $0x1, s1  }
0x8c: {  	s14 =	sshll.u32 s0, $0xA;
	s2 =	sadd.s32 s3, s2  }
0x8d: {  	s2 =	sadd.s32 s2, s14  }
0x8e: {  	[smem:$0x3FC6] =	sst s2  }
0x8f: {  	_ = 	snop  }
0x90: {  	s2 =	sld [smem:$0x3FD0];
	_ =	sdelay $0x2  }
0x91: {  	s15 =	simm.s32 $0xA;
	s4 =	simm.s32 $0x10  }
0x92: {  	[smem:s4], [sflag:s15] =	dma.local [hbm:s2], $0x1  }
0x93: {  	_ =	swait.eq [sflag:s15], $0x1  }
0x94: {  	[sflag:s15] =	ssyncset.done $0x0  }
0x95: {  	[sflag:s15] =	ssyncadd.s32 $0xFFFFFFFF  }
0x96: {  	s16 =	sld [smem:$0x10];
	(tm) =	ssettm $0x1  }
0x97: {  	s17 =	sld [smem:$0x3FFB];
	_ =	sdelay $0x3  }
0x98: {  	_ =	strace s17  }
0x99: {  	s3 =	sld [smem:$0x3FFC];
	_ =	sdelay $0x3  }
0x9a: {  	_ =	strace s3  }
0x9b: {  	s3 =	sld [smem:$0x3FFD];
	_ =	sdelay $0x3  }
0x9c: {  	_ =	strace s3  }
0x9d: {  	_ =	strace $0x8FFFFFFF  }
0x9e: {  	s18 =	sld [smem:$0x3FDB];
	_ =	sdelay $0x1  }
0x9f: {  	s19 =	simm.s32 $_scs_section_size  }
0xa0: {  	s5 =	simm.s32 $_size__tile_overlayer_lowered;
	s6 =	simm.s32 $_tile_overlayer_lowered  }
0xa1: {  	s22 =	simm.s32 $0x1BFF;
	s21 =	sshll.u32 s6, $0x1;
	s3 =	sadd.s32 s19, s18  }
0xa2: {  	s7 =	simm.s32 $0x0;
	s20 =	sshll.u32 s5, $0x1;
	s5 =	sadd.s32 s21, s3  }
0xa3: {  	[timem:s7], [sflag:s22] =	dma.local [hbm:s5], s20  }
0xa4: {  	_ =	swait.ge [sflag:s22], s20  }
0xa5: {  	s4 =	ssub.s32 $0x0, s20;
	[sflag:s22] =	ssyncset.done $0x0  }
0xa6: {  	[sflag:s22] =	ssyncadd.s32 s4;
	_ =	sdelay $0x1  }
0xa7: {  	s23 =	simm.s32 $0x1B8B  }
0xa8: {  	_ =	swait.ge [sflag:s23], $0x1  }
0xa9: {  	[sflag:s23] =	ssyncset.done $0x0  }
0xaa: {  	s25 =	simm.s32 $0x1B8E;
	s24 =	sld [smem:$0x3FFE];
	[sflag:s23] =	ssyncadd.s32 $0xFFFFFFFF  }
0xab: {  	s26 =	simm.s32 $execute0_lowered;
	[smem:$0x3FD2] =	sst s25  }
0xac: {  	s5 =	sshll.u32 s26, $0x1;
	_ =	strace $0x80000046;
	[dreg:$0x1] =	wrdreg $0xFFFFFFFF  }
0xad: {  	s28 =	simm.s32 $_size_execute0_lowered;
	s3 =	sadd.s32 s3, s5;
	[dreg:$0x0] =	wrdreg $0x0  }
0xae: {  	s5 =	sshll.u32 s28, $0x1;
	[dreg:$0x2] =	wrdreg s3  }
0xaf: {  	[dreg:$0x3] =	wrdreg s5  }
0xb0: {  	[dreg:$0x4] =	wrdreg $0xC0  }
0xb1: {  	_ =	task [dreg:s7], $0x5FFFF  }
0xb2: {  	[dreg:$0x1] =	wrdreg $0xFFFFFFFF  }
0xb3: {  	[dreg:$0x0] =	wrdreg $0x60  }
0xb4: {  	[dreg:$0x2] =	wrdreg s24  }
0xb5: {  	[dreg:$0x3] =	wrdreg s16  }
0xb6: {  	[dreg:$0x4] =	wrdreg $0x0  }
0xb7: {  	[dreg:$0x5] =	wrdreg $0x9  }
0xb8: {  	_ =	task.clear_ibuf [dreg:s7], $0x6FFFF;
	_ =	strace $0x90000046  }
0xb9: {  	s29 =	simm.s32 $0x9;
	_ =	strace $0x80000048  }
0xba: {  	_ =	swait.ge [sflag:s29], $0x1  }
0xbb: {  	[sflag:s29] =	ssyncadd.s32 $0xFFFFFFFF  }
0xbc: {  	_ =	strace $0x90000048  }
0xbd: {  	_ =	sfence  }
0xbe: {  	s30 =	sld [smem:$0x0];
	_ =	sdelay $0x2  }
0xbf: {  	s31 =	sshll.u32 s1, $0xD;
	s1 =	sshrl.u32 s1, $0x2  }
0xc0: {  	s3 =	sand.u32 $0x4000, s31;
	s1 =	sadd.s32 s1, s30  }
0xc1: {  	s0 =	sor.u32 s3, s0;
	s1 =	sshll.u32 s1, $0x11  }
0xc2: {  	s0 =	sor.u32 s1, s0  }
0xc3: {  	s0 =	sadd.s32 $0x8F2B, s0  }
0xc4: {  	[sflag:s0] =	ssyncadd.remote.s32 $0x1  }
0xc5: {  	_ =	sfence.sel $0xFFFF  }
0xc6: {  	[dreg:$0x0] =	wrdreg $0xFFFFFFFF;
	(pc) =	sbr.abs _section_cstart, $3  }
0xc7: {  	[dreg:$0x1] =	wrdreg $0xFFFFFFFF  }
0xc8: {  	_ =	task.clear_ibuf [dreg:s7], $0x2FFFF;
	_ =	strace $0x9FFFFFFF  }
0xc9: {  	(tm) =	ssettm $0x7FFFFFFF  }
tec
execute0_lowered:
.L_overlay_start_1:
0x0: {  	(tag) =	ssettag $0x1  }
0x1: {  	s1 =	rddreg [dreg:$0x0]  }
0x2: {  	s0 =	srdreg.scid;
	s5 =	rddreg [dreg:$0x1]  }
0x3: {  	s2 =	stileid.u32;
	s3 =	rddreg [dreg:$0x2];
	s6 =	simm.s32 $0x0  }
0x4: {  	s12 =	simm.s32 $0x1000;
	s10 =	simm.s32 $0x60;
	s13 =	simm.s32 $0x1060  }
0x5: {  	s14 =	simm.s32 $0x2A40;
	s4 =	sand.u32 $0x1, s0;
	s30 =	sshll.u32 s2, $0x1  }
0x6: {  	s15 =	simm.s32 $0x10C0;
	s7 =	sor.u32 s4, s30;
	s4 =	ssub.s32 $0x2, s4  }
0x7: {  	s16 =	simm.s32 $0x4240;
	s17 =	simm.s32 $0x1120;
	s9 =	sshrl.u32 s4, $0x1  }
0x8: {  	s18 =	simm.s32 $0x5A40;
	s19 =	simm.s32 $0x1180;
	s4 =	ssub.s32 s4, s9  }
0x9: {  	s20 =	simm.s32 $0x7240;
	s21 =	simm.s32 $0x11E0;
	s31 =	smax.u32 s4, $0x1  }
0xa: {  	s23 =	simm.s32 $0x8A40;
	p1 =	por $0x0, $0x0;
	s26 =	sadd.s32 $0xFFFFFFFF, s31  }
0xb: {  	s0 =	rddreg [dreg:$0x3];
	s8 =	smul.u32 $0x48, s7;
	p2 =	sne.s32 s26, $0x0  }
.Ltmp0:
0xc: {  	[smem:$0x7FF] =	sst s6;
	p0 =	sne.s32 s2, $0x0;
	(pc) =	sbr.rel @!p2 .LBB2_3-.Ltmp0, $4  }
0xd: {  	s2 =	simm.s32 $0x2;
	_ =	strace $0x80000047;
	s7 =	smul.u32 $0x2400, s7  }
0xe: {  	s22 =	sshrl.u32 @!p0 s3, $0x3;
	s9 =	simm.s32 $0x80;
	s8 =	sadd.s32 s8, s1  }
0xf: {  	s1 =	sadd.s32 s7, s1;
	s4 =	simm.s32 $0x1240;
	s7 =	simm.s32 $0x1  }
0x10: {  	s11 =	sadd.s32 $0x600, s8;
	s1 =	sadd.s32 $0x1000, s1;
	s8 =	simm.s32 $0x40  }
0x11: {  	s24 =	simm.s32 @!p0 $0x1C02;
	s25 =	simm.s32 @!p0 $0x2  }
0x12: {  	[spmem:s22], [sflag:s24] =	dma.local @!p0 [hbm:s5], $0x2000  }
0x13: {  	_ =	swait.ge @!p0 [sflag:s25], $0x2000  }
0x14: {  	[sflag:s25] =	ssyncset.done @!p0 $0x0  }
0x15: {  	[sflag:s25] =	ssyncadd.s32 @!p0 $0xFFFFE000  }
0x16: {  	[bflag:$0x0] =	sbarrier.arrive $0xFFFF  }
0x17: {  	[tilespmem:s12], [sflag:$0x2] =	stream.linear.gather [hbm4b:s11+s6], $0x240, $0x38;
	[tilespmem:$0xA240] =	vst v63  }
0x18: {  	_ =	swait.ge [sflag:s2], $0x240  }
0x19: {  	[sflag:s2] =	ssyncset.done $0x0  }
0x1a: {  	[sflag:s2] =	ssyncadd.s32 $0xFFFFFDC0  }
0x1b: {  	[tilespmem:s4], [sflag:$0x1] =	stream.indirect.gather [spmem:s3], $0x40, s12, s10, $0xb8;
	[tilespmem:$0xA240] =	vst v63  }
0x1c: {  	_ = 	snop  }
0x1d: {  	[tilespmem:s14], [sflag:$0x1] =	stream.indirect.gather [spmem:s3], $0x40, s13, s10, $0xb8;
	[tilespmem:$0xA240] =	vst v63  }
0x1e: {  	_ = 	snop  }
0x1f: {  	[tilespmem:s16], [sflag:$0x1] =	stream.indirect.gather [spmem:s3], $0x40, s15, s10, $0xb8;
	[tilespmem:$0xA240] =	vst v63  }
0x20: {  	_ = 	snop  }
0x21: {  	[tilespmem:s18], [sflag:$0x1] =	stream.indirect.gather [spmem:s3], $0x40, s17, s10, $0xb8;
	[tilespmem:$0xA240] =	vst v63  }
0x22: {  	_ = 	snop  }
0x23: {  	[tilespmem:s20], [sflag:$0x1] =	stream.indirect.gather [spmem:s3], $0x40, s19, s10, $0xb8;
	[tilespmem:$0xA240] =	vst v63  }
0x24: {  	_ = 	snop  }
0x25: {  	[tilespmem:s23], [sflag:$0x1] =	stream.indirect.gather [spmem:s3], $0x40, s21, s10, $0xb8;
	[tilespmem:$0xA240] =	vst v63  }
0x26: {  	_ =	swait.ge [sflag:s7], $0x1800  }
0x27: {  	[sflag:s7] =	ssyncset.done $0x0  }
0x28: {  	[sflag:s7] =	ssyncadd.s32 $0xFFFFE800  }
0x29: {  	_ =	swait.ge [sflag:s7], $0x1800  }
0x2a: {  	[sflag:s7] =	ssyncset.done $0x0  }
0x2b: {  	[sflag:s7] =	ssyncadd.s32 $0xFFFFE800  }
0x2c: {  	_ =	swait.ge [sflag:s7], $0x1800  }
0x2d: {  	[sflag:s7] =	ssyncset.done $0x0  }
0x2e: {  	[sflag:s7] =	ssyncadd.s32 $0xFFFFE800  }
0x2f: {  	_ =	swait.ge [sflag:s7], $0x1800  }
0x30: {  	[sflag:s7] =	ssyncset.done $0x0  }
0x31: {  	[sflag:s7] =	ssyncadd.s32 $0xFFFFE800  }
0x32: {  	_ =	swait.ge [sflag:s7], $0x1800  }
0x33: {  	[sflag:s7] =	ssyncset.done $0x0  }
0x34: {  	s26 =	sadd.s32 $0xFFFFFFFF, s26;
	[sflag:s7] =	ssyncadd.s32 $0xFFFFE800  }
0x35: {  	p2 =	sne.s32 s26, $0x0;
	_ =	swait.ge [sflag:s7], $0x1800  }
.Ltmp1:
0x36: {  	[sflag:s7] =	ssyncset.done $0x0;
	(pc) =	sbr.rel @!p2 .LBB2_3-.Ltmp1, $4  }
0x37: {  	[sflag:s7] =	ssyncadd.s32 $0xFFFFE800  }
0x38: {  	[hbm4b:s1+s8] =	stream.strided.scatter [tilespmem:s4], [sflag:$0x2], $0x9000, s9, s8, $0x38;
	[tilespmem:$0xA240] =	vst v63  }
0x39: {  	_ =	swait.ge [sflag:s2], $0x9000  }
0x3a: {  	p1 =	por $0x1, $0x1;
	[sflag:s2] =	ssyncset.done $0x0  }
.LBB2_2:
0x3b: {  	[sflag:s2] =	ssyncadd.s32 $0xFFFF7000  }
0x3c: {  	[spmem:s22], [sflag:s24] =	dma.local @!p0 [hbm:s5], $0x2000  }
0x3d: {  	s26 =	sadd.s32 $0xFFFFFFFF, s26;
	_ =	swait.ge @!p0 [sflag:s25], $0x2000  }
0x3e: {  	p2 =	sne.s32 s26, $0x0;
	[sflag:s25] =	ssyncset.done @!p0 $0x0  }
0x3f: {  	[sflag:s25] =	ssyncadd.s32 @!p0 $0xFFFFE000  }
0x40: {  	[bflag:$0x0] =	sbarrier.arrive $0xFFFF  }
0x41: {  	[tilespmem:s12], [sflag:$0x2] =	stream.linear.gather [hbm4b:s11+s6], $0x240, $0x38;
	[tilespmem:$0xA240] =	vst v63  }
0x42: {  	_ =	swait.ge [sflag:s2], $0x240  }
0x43: {  	[sflag:s2] =	ssyncset.done $0x0  }
0x44: {  	[sflag:s2] =	ssyncadd.s32 $0xFFFFFDC0  }
0x45: {  	[tilespmem:s4], [sflag:$0x1] =	stream.indirect.gather [spmem:s3], $0x40, s12, s10, $0xb8;
	[tilespmem:$0xA240] =	vst v63  }
0x46: {  	_ = 	snop  }
0x47: {  	[tilespmem:s14], [sflag:$0x1] =	stream.indirect.gather [spmem:s3], $0x40, s13, s10, $0xb8;
	[tilespmem:$0xA240] =	vst v63  }
0x48: {  	_ = 	snop  }
0x49: {  	[tilespmem:s16], [sflag:$0x1] =	stream.indirect.gather [spmem:s3], $0x40, s15, s10, $0xb8;
	[tilespmem:$0xA240] =	vst v63  }
0x4a: {  	_ = 	snop  }
0x4b: {  	[tilespmem:s18], [sflag:$0x1] =	stream.indirect.gather [spmem:s3], $0x40, s17, s10, $0xb8;
	[tilespmem:$0xA240] =	vst v63  }
0x4c: {  	_ = 	snop  }
0x4d: {  	[tilespmem:s20], [sflag:$0x1] =	stream.indirect.gather [spmem:s3], $0x40, s19, s10, $0xb8;
	[tilespmem:$0xA240] =	vst v63  }
0x4e: {  	_ = 	snop  }
0x4f: {  	[tilespmem:s23], [sflag:$0x1] =	stream.indirect.gather [spmem:s3], $0x40, s21, s10, $0xb8;
	[tilespmem:$0xA240] =	vst v63  }
0x50: {  	_ =	swait.ge [sflag:s7], $0x1800  }
0x51: {  	[sflag:s7] =	ssyncset.done $0x0  }
0x52: {  	[sflag:s7] =	ssyncadd.s32 $0xFFFFE800  }
0x53: {  	_ =	swait.ge [sflag:s7], $0x1800  }
0x54: {  	[sflag:s7] =	ssyncset.done $0x0  }
0x55: {  	[sflag:s7] =	ssyncadd.s32 $0xFFFFE800  }
0x56: {  	_ =	swait.ge [sflag:s7], $0x1800  }
0x57: {  	[sflag:s7] =	ssyncset.done $0x0  }
0x58: {  	[sflag:s7] =	ssyncadd.s32 $0xFFFFE800  }
0x59: {  	_ =	swait.ge [sflag:s7], $0x1800  }
0x5a: {  	[sflag:s7] =	ssyncset.done $0x0  }
0x5b: {  	[sflag:s7] =	ssyncadd.s32 $0xFFFFE800  }
0x5c: {  	_ =	swait.ge [sflag:s7], $0x1800  }
0x5d: {  	[sflag:s7] =	ssyncset.done $0x0  }
0x5e: {  	[sflag:s7] =	ssyncadd.s32 $0xFFFFE800  }
0x5f: {  	_ =	swait.ge [sflag:s7], $0x1800  }
.Ltmp2:
0x60: {  	[sflag:s7] =	ssyncset.done $0x0;
	(pc) =	sbr.rel @p2 .LBB2_2-.Ltmp2, $4  }
0x61: {  	[sflag:s7] =	ssyncadd.s32 $0xFFFFE800  }
0x62: {  	[hbm4b:s1+s8] =	stream.strided.scatter [tilespmem:s4], [sflag:$0x2], $0x9000, s9, s8, $0x38;
	[tilespmem:$0xA240] =	vst v63  }
0x63: {  	_ =	swait.ge [sflag:s2], $0x9000  }
0x64: {  	[sflag:s2] =	ssyncset.done $0x0  }
.LBB2_3:
0x65: {  	s24 =	simm.s32 @!p0 $0x1C02;
	s25 =	simm.s32 @!p0 $0x2;
	[sflag:s2] =	ssyncadd.s32 @p1 $0xFFFF7000  }
0x66: {  	[spmem:s22], [sflag:s24] =	dma.local @!p0 [hbm:s5], $0x2000  }
0x67: {  	_ =	swait.ge @!p0 [sflag:s25], $0x2000  }
0x68: {  	[sflag:s25] =	ssyncset.done @!p0 $0x0  }
0x69: {  	[sflag:s25] =	ssyncadd.s32 @!p0 $0xFFFFE000  }
0x6a: {  	[bflag:$0x0] =	sbarrier.arrive $0xFFFF  }
0x6b: {  	[tilespmem:s12], [sflag:$0x2] =	stream.linear.gather [hbm4b:s11+s6], $0x240, $0x38;
	[tilespmem:$0xA240] =	vst v63  }
0x6c: {  	_ =	swait.ge [sflag:s2], $0x240  }
0x6d: {  	[sflag:s2] =	ssyncset.done $0x0  }
0x6e: {  	[sflag:s2] =	ssyncadd.s32 $0xFFFFFDC0  }
0x6f: {  	[tilespmem:s4], [sflag:$0x1] =	stream.indirect.gather [spmem:s3], $0x40, s12, s10, $0xb8;
	[tilespmem:$0xA240] =	vst v63  }
0x70: {  	_ = 	snop  }
0x71: {  	[tilespmem:s14], [sflag:$0x1] =	stream.indirect.gather [spmem:s3], $0x40, s13, s10, $0xb8;
	[tilespmem:$0xA240] =	vst v63  }
0x72: {  	_ = 	snop  }
0x73: {  	[tilespmem:s16], [sflag:$0x1] =	stream.indirect.gather [spmem:s3], $0x40, s15, s10, $0xb8;
	[tilespmem:$0xA240] =	vst v63  }
0x74: {  	_ = 	snop  }
0x75: {  	[tilespmem:s18], [sflag:$0x1] =	stream.indirect.gather [spmem:s3], $0x40, s17, s10, $0xb8;
	[tilespmem:$0xA240] =	vst v63  }
0x76: {  	_ = 	snop  }
0x77: {  	[tilespmem:s20], [sflag:$0x1] =	stream.indirect.gather [spmem:s3], $0x40, s19, s10, $0xb8;
	[tilespmem:$0xA240] =	vst v63  }
0x78: {  	_ = 	snop  }
0x79: {  	[tilespmem:s23], [sflag:$0x1] =	stream.indirect.gather [spmem:s3], $0x40, s21, s10, $0xb8;
	[tilespmem:$0xA240] =	vst v63  }
0x7a: {  	_ =	swait.ge [sflag:s7], $0x1800  }
0x7b: {  	[sflag:s7] =	ssyncset.done $0x0  }
0x7c: {  	[sflag:s7] =	ssyncadd.s32 $0xFFFFE800  }
0x7d: {  	_ =	swait.ge [sflag:s7], $0x1800  }
0x7e: {  	[sflag:s7] =	ssyncset.done $0x0  }
0x7f: {  	[sflag:s7] =	ssyncadd.s32 $0xFFFFE800  }
0x80: {  	_ =	swait.ge [sflag:s7], $0x1800  }
0x81: {  	[sflag:s7] =	ssyncset.done $0x0  }
0x82: {  	[sflag:s7] =	ssyncadd.s32 $0xFFFFE800  }
0x83: {  	_ =	swait.ge [sflag:s7], $0x1800  }
0x84: {  	[sflag:s7] =	ssyncset.done $0x0  }
0x85: {  	[sflag:s7] =	ssyncadd.s32 $0xFFFFE800  }
0x86: {  	_ =	swait.ge [sflag:s7], $0x1800  }
0x87: {  	[sflag:s7] =	ssyncset.done $0x0  }
0x88: {  	[sflag:s7] =	ssyncadd.s32 $0xFFFFE800  }
0x89: {  	_ =	swait.ge [sflag:s7], $0x1800  }
0x8a: {  	[sflag:s7] =	ssyncset.done $0x0  }
0x8b: {  	[sflag:s7] =	ssyncadd.s32 $0xFFFFE800  }
0x8c: {  	[hbm4b:s1+s8] =	stream.strided.scatter [tilespmem:s4], [sflag:$0x2], $0x9000, s9, s8, $0x38;
	[tilespmem:$0xA240] =	vst v63  }
0x8d: {  	_ =	swait.ge [sflag:s2], $0x9000  }
0x8e: {  	[sflag:s2] =	ssyncset.done $0x0  }
0x8f: {  	[sflag:s2] =	ssyncadd.s32 $0xFFFF7000  }
0x90: {  	_ =	sfence.sel $0x180000  }
0x91: {  	[bflag:$0x0] =	sbarrier.arrive $0xFFFF  }
0x92: {  	_ =	strace $0x90000047  }
0x93: {  	s0 =	sadd.s32 @!p0 $0x100000, s0;
	[bflag:$0x2] =	sbarrier.arrive $0xFFFF  }
0x94: {  	[sflag:s0] =	ssyncadd.tile.s32 @!p0 $0x1;
	_ =	shalt  }
.Lfunc_end2:
_tile_overlayer_lowered:
.L_overlay_start_2:
0x95: {  	(tag) =	ssettag $0x2  }
0x96: {  	s0 =	rddreg [dreg:$0x0];
	s2 =	stileid.u32  }
0x97: {  	s1 =	rddreg [dreg:$0x1];
	p0 =	sne.s32 s2, $0x0  }
0x98: {  	s3 =	rddreg [dreg:$0x2];
	[bflag:$0x3] =	sbarrier.arrive $0xFFFF;
	s2 =	simm.s32 @!p0 $0x1C02  }
0x99: {  	[timem:s3], [sflag:s2] =	dma.local @!p0 [hbm:s0], s1  }
0x9a: {  	s0 =	simm.s32 @!p0 $0x2  }
0x9b: {  	_ =	swait.ge @!p0 [sflag:s0], s1  }
0x9c: {  	s1 =	ssub.s32 @!p0 $0x0, s1;
	[sflag:s0] =	ssyncset.done @!p0 $0x0  }
0x9d: {  	[sflag:s0] =	ssyncadd.s32 @!p0 s1  }
0x9e: {  	[bflag:$0x3] =	sbarrier.arrive $0xFFFF  }
0x9f: {  	_ =	shalt  }

</sc_bundles>
